<compile_context>
chip_gen: v7x
topology: tpu7x:2x2x1
jax: 0.10.2.dev20260603
libtpu: 0.0.44.dev20260713+nightly
codegen_flags: <defaults>
</compile_context>

<pallas_src>
import functools

import jax
import jax.numpy as jnp
from jax import lax
from jax.experimental import pallas as pl
from jax.experimental.pallas import tpu as pltpu
from jax.experimental.pallas import tpu_sc as plsc

_SELU_ALPHA_SCALE = 1.0507009873554805 * 1.6732632423543772
_SELU_SCALE = 1.0507009873554805


def _sc_gather_body(tab_hbm, idx_hbm, out_hbm, idx_v, rows_v, sem, *,
                    b_per_w, nc):
    wid = lax.axis_index("s") * nc + lax.axis_index("c")
    base = wid * b_per_w
    pltpu.sync_copy(idx_hbm.at[pl.ds(base, b_per_w)], idx_v)
    pltpu.async_copy(tab_hbm.at[idx_v], rows_v, sem).wait()
    pltpu.sync_copy(rows_v, out_hbm.at[pl.ds(base, b_per_w)])


def _sc_gather(table, idx):
    m = idx.shape[0]
    dp = table.shape[1]
    info = plsc.get_sparse_core_info()
    nc, ns = info.num_cores, info.num_subcores
    b_per_w = m // (nc * ns)
    mesh = plsc.VectorSubcoreMesh(core_axis_name="c", subcore_axis_name="s")
    kern = functools.partial(
        pl.kernel,
        out_type=jax.ShapeDtypeStruct((m, dp), jnp.float32),
        mesh=mesh,
        scratch_types=[
            pltpu.VMEM((b_per_w,), jnp.int32),
            pltpu.VMEM((b_per_w, dp), jnp.float32),
            pltpu.SemaphoreType.DMA,
        ],
    )(functools.partial(_sc_gather_body, b_per_w=b_per_w, nc=nc))
    return kern(table, idx)


def _tc_body(u_ref, x_ref, g0_ref, g1_ref, law_ref, lab_ref, fw_ref, fb_ref,
             m_ref, t_ref, prob_ref, pred_ref, situ_ref):
    u = u_ref[...]
    d = u.shape[1]
    s = jnp.dot(u, law_ref[...], preferred_element_type=jnp.float32) + lab_ref[...]
    f = jnp.dot(u, fw_ref[...], preferred_element_type=jnp.float32) + fb_ref[...]
    f = f - jnp.max(f, axis=-1, keepdims=True)
    ef = jnp.exp(f)
    w = ef / jnp.sum(ef, axis=-1, keepdims=True)
    se = w[:, 0:1] * g0_ref[:, :d] + w[:, 1:2] * g1_ref[:, :d]
    situ_ref[...] = se

    x = x_ref[...]

    def col(i):
        return s[:, i:i + 1]

    c_pos = col(0) + _SELU_SCALE * col(4) + col(2) + col(3) + col(6)
    c_neg = col(0) + _SELU_ALPHA_SCALE * col(4)
    c_xneg = col(2)

    pos = x > 0.0
    ax = jnp.abs(x)
    e = jnp.exp(-ax)
    l = jnp.log1p(e)
    r1 = 1.0 / (1.0 + e)
    sig = jnp.where(pos, r1, e * r1)
    e2 = e * e
    r2 = 1.0 / (1.0 + e2)
    th = jnp.where(pos, 2.0 * r2 - 1.0, 1.0 - 2.0 * r2)
    ss = x / (1.0 + ax)
    hsig = jnp.clip(x * (1.0 / 6.0) + 0.5, 0.0, 1.0)

    pred = (jnp.where(pos, c_pos * x, c_xneg * x + c_neg * (e - 1.0))
            + (col(1) + col(8) * x) * hsig
            + col(6) * l + col(7) * ss + col(9) * th + col(5) * sig)
    pred_ref[...] = pred

    se_t = jnp.dot(se, t_ref[...], preferred_element_type=jnp.float32)
    pn2 = jnp.dot(pred * pred, m_ref[...], preferred_element_type=jnp.float32)
    dot = jnp.dot(pred * se_t, m_ref[...], preferred_element_type=jnp.float32)
    sn2 = jnp.sum(se * se, axis=1, keepdims=True)
    prob_ref[...] = dot / jnp.sqrt(pn2) / jnp.sqrt(sn2)


def kernel(u_embeddings, i_embeddings, situ_target_0, situ_target_1,
           la_W, la_b, fusion_W, fusion_b, situ_table_0, situ_table_1):
    b, n, d = i_embeddings.shape
    na = la_W.shape[1]
    ns = fusion_W.shape[1]
    nd = n * d

    dp = 128
    f0 = situ_table_0.shape[0]
    f0p = -(-f0 // 8) * 8
    tab = jnp.concatenate([
        jnp.pad(situ_table_0.astype(jnp.float32), ((0, f0p - f0), (0, dp - d))),
        jnp.pad(situ_table_1.astype(jnp.float32), ((0, 0), (0, dp - d))),
    ], axis=0)
    idx = jnp.concatenate([situ_target_0.astype(jnp.int32),
                           situ_target_1.astype(jnp.int32) + f0p], axis=0)
    g = _sc_gather(tab, idx)

    bb = 256
    grid = b // bb
    x2 = i_embeddings.reshape(b, nd)
    lab2 = la_b.reshape(1, na)
    fb2 = fusion_b.reshape(1, ns)
    karr = jnp.arange(nd, dtype=jnp.int32)
    m_mat = (karr[:, None] // d == jnp.arange(n, dtype=jnp.int32)[None, :]
             ).astype(jnp.float32)
    t_mat = (jnp.arange(d, dtype=jnp.int32)[:, None] == karr[None, :] % d
             ).astype(jnp.float32)

    prob, pred2, situ = pl.pallas_call(
        _tc_body,
        grid=(grid,),
        in_specs=[
            pl.BlockSpec((bb, d), lambda i: (i, 0)),
            pl.BlockSpec((bb, nd), lambda i: (i, 0)),
            pl.BlockSpec((bb, dp), lambda i: (i, 0)),
            pl.BlockSpec((bb, dp), lambda i, o=grid: (i + o, 0)),
            pl.BlockSpec((d, na), lambda i: (0, 0)),
            pl.BlockSpec((1, na), lambda i: (0, 0)),
            pl.BlockSpec((d, ns), lambda i: (0, 0)),
            pl.BlockSpec((1, ns), lambda i: (0, 0)),
            pl.BlockSpec((nd, n), lambda i: (0, 0)),
            pl.BlockSpec((d, nd), lambda i: (0, 0)),
        ],
        out_specs=[
            pl.BlockSpec((bb, n), lambda i: (i, 0)),
            pl.BlockSpec((bb, nd), lambda i: (i, 0)),
            pl.BlockSpec((bb, d), lambda i: (i, 0)),
        ],
        out_shape=[
            jax.ShapeDtypeStruct((b, n), jnp.float32),
            jax.ShapeDtypeStruct((b, nd), jnp.float32),
            jax.ShapeDtypeStruct((b, d), jnp.float32),
        ],
    )(u_embeddings, x2, g, g, la_W, lab2, fusion_W, fb2, m_mat, t_mat)
    return (prob, pred2.reshape(b, n, d), situ)

# --- scband reference (transcript-rebuilt; emitter-appended) ---
"""Pipeline reference for scband-base-sare-60765197304481 (READ-ONLY COPY).

The authoritative reference and input builder live on the scoring server;
editing this copy changes nothing except your own understanding.
"""

import jax, jax.numpy as jnp
import numpy as np

B = 4096
N = 50
D = 64
NA = 10
NS = 2
F0 = 7
F1 = 24


def _activation_bank(x):
    # Mirrors torch: [ELU, Hardsigmoid, Identity, ReLU, SELU, Sigmoid, Softplus, Softsign, Hardswish, Tanh]
    elu = jnp.where(x > 0, x, jnp.expm1(x))
    hardsigmoid = jnp.clip(x / 6.0 + 0.5, 0.0, 1.0)
    identity = x
    relu = jnp.maximum(x, 0.0)
    selu = 1.0507009873554805 * jnp.where(x > 0, x, 1.6732632423543772 * jnp.expm1(x))
    sigmoid = jax.nn.sigmoid(x)
    softplus = jnp.logaddexp(x, 0.0)
    softsign = x / (1.0 + jnp.abs(x))
    hardswish = x * jnp.clip(x / 6.0 + 0.5, 0.0, 1.0)
    tanh = jnp.tanh(x)
    return [elu, hardsigmoid, identity, relu, selu, sigmoid, softplus, softsign, hardswish, tanh]


def setup_inputs(seed: int = 0) -> dict:
    key = jax.random.key(seed)
    ks = jax.random.split(key, 10)
    return {
        "u_embeddings": jax.random.normal(ks[0], (B, D), dtype=jnp.float32),
        "i_embeddings": jax.random.normal(ks[1], (B, N, D), dtype=jnp.float32),
        "situ_target_0": jax.random.randint(ks[2], (B,), 0, F0),
        "situ_target_1": jax.random.randint(ks[3], (B,), 0, F1),
        "la_W": jax.random.normal(ks[4], (D, NA), dtype=jnp.float32) * 0.05,
        "la_b": jnp.zeros((NA,), dtype=jnp.float32),
        "fusion_W": jax.random.normal(ks[5], (D, NS), dtype=jnp.float32) * 0.05,
        "fusion_b": jnp.zeros((NS,), dtype=jnp.float32),
        "situ_table_0": jax.random.normal(ks[6], (F0, D), dtype=jnp.float32),
        "situ_table_1": jax.random.normal(ks[7], (F1, D), dtype=jnp.float32),
    }


def reference(u_embeddings, i_embeddings, situ_target_0, situ_target_1,
              la_W, la_b, fusion_W, fusion_b, situ_table_0, situ_table_1):
    # s = self.la_weights(u_embeddings)  (ablation_ucfe == 0)
    s = u_embeddings @ la_W + la_b  # [B, NA]
    acts = _activation_bank(i_embeddings)
    # torch stacks then sums over activation axis; accumulate (same math)
    pred_situ = jnp.zeros_like(i_embeddings)
    for i in range(NA):
        pred_situ = pred_situ + s[:, i][:, None, None] * acts[i]  # [B, N, D]
    # situ embedding lookups (SparseCore gathers)
    situ0 = jnp.take(situ_table_0, situ_target_0, axis=0)  # [B, D]
    situ1 = jnp.take(situ_table_1, situ_target_1, axis=0)  # [B, D]
    situ_embed_stack = jnp.stack([situ0, situ1], axis=-1)  # [B, D, NS]
    # situ_fusion == 'user': softmax(Linear(u))
    w = jax.nn.softmax(u_embeddings @ fusion_W + fusion_b, axis=-1)  # [B, NS]
    situ_embed = (w[:, None, :] * situ_embed_stack).sum(axis=-1)  # [B, D]
    pred_norm = jnp.linalg.norm(pred_situ, ord=2, axis=2)  # [B, N]
    situ_norm = jnp.linalg.norm(situ_embed, ord=2, axis=1)  # [B]
    pred_situ_prob = (pred_situ * situ_embed[:, None, :]).sum(axis=-1) / pred_norm / situ_norm[:, None]
    return (pred_situ_prob, pred_situ, situ_embed)

if __name__ == "__main__":
    import jax
    _d = setup_inputs()
    print(jax.jit(kernel)(*tuple(_d.values())))

</pallas_src>

<mosaic_0001>
#map = affine_map<(d0, d1) -> (0, 0)>
#map1 = affine_map<(d0, d1) -> (0)>
module attributes {stable_mosaic.version = 14 : i64} {
  func.func @_sc_gather_body(%arg0: i32, %arg1: i32, %arg2: memref<32x128xf32, #tpu.memory_space<hbm>>, %arg3: memref<8192xi32, #tpu.memory_space<hbm>>, %arg4: memref<8192x128xf32, #tpu.memory_space<hbm>>, %arg5: memref<256xi32, #tpu.memory_space<vmem>>, %arg6: memref<256x128xf32, #tpu.memory_space<vmem>>, %arg7: memref<!tpu.dma_semaphore, #tpu.memory_space<semaphore_mem>>) attributes {dimension_semantics = [#tpu.dimension_semantics<core_parallel>, #tpu.dimension_semantics<subcore_parallel>], iteration_bounds = array<i64: 2, 16>, scalar_prefetch = 0 : i64, scratch_operands = 3 : i64, tpu.core_type = #tpu.core_type<sc_vector_subcore>, window_params = [{transform_indices = #map}, {transform_indices = #map1}, {transform_indices = #map}]} {
    %mul3A = arith.constant 2 : i32
    %mul3A_0 = arith.muli %arg1, %mul3A : i32
    %add3A = arith.addi %mul3A_0, %arg0 : i32
    %mul3A_1 = arith.constant 256 : i32
    %mul3A_2 = arith.muli %add3A, %mul3A_1 : i32
    "tpu.region"() ({
      %run_scoped3A = tpu.sem_alloc : memref<!tpu.dma_semaphore, #tpu.memory_space<semaphore_mem>>
      %dma_start3A_7 = tpu.memref_slice %arg3[%mul3A_2] : memref<8192xi32, #tpu.memory_space<hbm>> -> memref<256xi32, #tpu.memory_space<hbm>>
      %dma_start3A_8 = tpu.memref_slice %arg3[%mul3A_2] : memref<8192xi32, #tpu.memory_space<hbm>> -> memref<256xi32, #tpu.memory_space<hbm>>
      tpu.enqueue_dma source(%dma_start3A_8 : memref<256xi32, #tpu.memory_space<hbm>>) target(%arg5 : memref<256xi32, #tpu.memory_space<vmem>>) target_semaphore(%run_scoped3A : memref<!tpu.dma_semaphore, #tpu.memory_space<semaphore_mem>>)
      %dma_wait3A_9 = tpu.memref_slice %arg3[%mul3A_2] : memref<8192xi32, #tpu.memory_space<hbm>> -> memref<256xi32, #tpu.memory_space<hbm>>
      %dma_wait3A_10 = tpu.memref_slice %arg3[%mul3A_2] : memref<8192xi32, #tpu.memory_space<hbm>> -> memref<256xi32, #tpu.memory_space<hbm>>
      tpu.wait_dma2 semaphore(%run_scoped3A : memref<!tpu.dma_semaphore, #tpu.memory_space<semaphore_mem>>) src(%dma_wait3A_10 : memref<256xi32, #tpu.memory_space<hbm>>) dst(%arg5 : memref<256xi32, #tpu.memory_space<vmem>>)
      tpu.yield
    }) : () -> ()
    %dma_start3A = arith.constant 0 : i32
    %dma_start3A_3 = arith.constant 0 : i32
    %dma_start3A_4 = tpu.memref_slice %arg2[%dma_start3A, %dma_start3A_3] : memref<32x128xf32, #tpu.memory_space<hbm>> -> memref<32x128xf32, #tpu.memory_space<hbm>>
    tpu.enqueue_indirect_dma source(%dma_start3A_4 : memref<32x128xf32, #tpu.memory_space<hbm>>) target(%arg6 : memref<256x128xf32, #tpu.memory_space<vmem>>) offsets(%arg5 : memref<256xi32, #tpu.memory_space<vmem>>) semaphore(%arg7 : memref<!tpu.dma_semaphore, #tpu.memory_space<semaphore_mem>>)
    %dma_wait3A = arith.constant 0 : i32
    %dma_wait3A_5 = arith.constant 0 : i32
    %dma_wait3A_6 = tpu.memref_slice %arg2[%dma_wait3A, %dma_wait3A_5] : memref<32x128xf32, #tpu.memory_space<hbm>> -> memref<32x128xf32, #tpu.memory_space<hbm>>
    tpu.wait_indirect_dma semaphore(%arg7 : memref<!tpu.dma_semaphore, #tpu.memory_space<semaphore_mem>>) src(%dma_wait3A_6 : memref<32x128xf32, #tpu.memory_space<hbm>>) dst(%arg6 : memref<256x128xf32, #tpu.memory_space<vmem>>)
    "tpu.region"() ({
      %run_scoped3A = tpu.sem_alloc : memref<!tpu.dma_semaphore, #tpu.memory_space<semaphore_mem>>
      %dma_start3A_7 = arith.constant 0 : i32
      %dma_start3A_8 = tpu.memref_slice %arg4[%mul3A_2, %dma_start3A_7] : memref<8192x128xf32, #tpu.memory_space<hbm>> -> memref<256x128xf32, #tpu.memory_space<hbm>>
      %dma_start3A_9 = arith.constant 0 : i32
      %dma_start3A_10 = tpu.memref_slice %arg4[%mul3A_2, %dma_start3A_9] : memref<8192x128xf32, #tpu.memory_space<hbm>> -> memref<256x128xf32, #tpu.memory_space<hbm>>
      tpu.enqueue_dma source(%arg6 : memref<256x128xf32, #tpu.memory_space<vmem>>) target(%dma_start3A_10 : memref<256x128xf32, #tpu.memory_space<hbm>>) target_semaphore(%run_scoped3A : memref<!tpu.dma_semaphore, #tpu.memory_space<semaphore_mem>>)
      %dma_wait3A_11 = arith.constant 0 : i32
      %dma_wait3A_12 = tpu.memref_slice %arg4[%mul3A_2, %dma_wait3A_11] : memref<8192x128xf32, #tpu.memory_space<hbm>> -> memref<256x128xf32, #tpu.memory_space<hbm>>
      %dma_wait3A_13 = arith.constant 0 : i32
      %dma_wait3A_14 = tpu.memref_slice %arg4[%mul3A_2, %dma_wait3A_13] : memref<8192x128xf32, #tpu.memory_space<hbm>> -> memref<256x128xf32, #tpu.memory_space<hbm>>
      tpu.wait_dma2 semaphore(%run_scoped3A : memref<!tpu.dma_semaphore, #tpu.memory_space<semaphore_mem>>) src(%arg6 : memref<256x128xf32, #tpu.memory_space<vmem>>) dst(%dma_wait3A_14 : memref<256x128xf32, #tpu.memory_space<hbm>>)
      tpu.yield
    }) : () -> ()
    return
  }
}

module attributes {stable_mosaic.version = 14 : i64} {
  func.func @_tc_body(%arg0: i32, %arg1: memref<256x64xf32, #tpu.memory_space<vmem>>, %arg2: memref<256x3200xf32, #tpu.memory_space<vmem>>, %arg3: memref<256x128xf32, #tpu.memory_space<vmem>>, %arg4: memref<256x128xf32, #tpu.memory_space<vmem>>, %arg5: memref<64x10xf32, #tpu.memory_space<vmem>>, %arg6: memref<1x10xf32, #tpu.memory_space<vmem>>, %arg7: memref<64x2xf32, #tpu.memory_space<vmem>>, %arg8: memref<1x2xf32, #tpu.memory_space<vmem>>, %arg9: memref<3200x50xf32, #tpu.memory_space<vmem>>, %arg10: memref<64x3200xf32, #tpu.memory_space<vmem>>, %arg11: memref<256x50xf32, #tpu.memory_space<vmem>>, %arg12: memref<256x3200xf32, #tpu.memory_space<vmem>>, %arg13: memref<256x64xf32, #tpu.memory_space<vmem>>) attributes {dimension_semantics = [#tpu.dimension_semantics<arbitrary>], iteration_bounds = array<i64: 16>, scalar_prefetch = 0 : i64, scratch_operands = 0 : i64, tpu.core_type = #tpu.core_type<tc>, window_params = [{transform_indices = @transform_0, window_bounds = array<i64: 256, 64>}, {transform_indices = @transform_1, window_bounds = array<i64: 256, 3200>}, {transform_indices = @transform_2, window_bounds = array<i64: 256, 128>}, {transform_indices = @transform_3, window_bounds = array<i64: 256, 128>}, {pipeline_mode = #tpu.pipeline_mode<synchronous>, transform_indices = @transform_4, window_bounds = array<i64: 64, 10>}, {pipeline_mode = #tpu.pipeline_mode<synchronous>, transform_indices = @transform_5, window_bounds = array<i64: 1, 10>}, {pipeline_mode = #tpu.pipeline_mode<synchronous>, transform_indices = @transform_6, window_bounds = array<i64: 64, 2>}, {pipeline_mode = #tpu.pipeline_mode<synchronous>, transform_indices = @transform_7, window_bounds = array<i64: 1, 2>}, {pipeline_mode = #tpu.pipeline_mode<synchronous>, transform_indices = @transform_8, window_bounds = array<i64: 3200, 50>}, {pipeline_mode = #tpu.pipeline_mode<synchronous>, transform_indices = @transform_9, window_bounds = array<i64: 64, 3200>}, {transform_indices = @transform_10, window_bounds = array<i64: 256, 50>}, {transform_indices = @transform_11, window_bounds = array<i64: 256, 3200>}, {transform_indices = @transform_12, window_bounds = array<i64: 256, 64>}]} {
    %get3A = arith.constant 0 : index
    %get3A_0 = arith.constant 0 : index
    %get3A_1 = vector.load %arg1[%get3A, %get3A_0] : memref<256x64xf32, #tpu.memory_space<vmem>>, vector<256x64xf32>
    %get3A_2 = arith.constant 0 : index
    %get3A_3 = arith.constant 0 : index
    %get3A_4 = vector.load %arg5[%get3A_2, %get3A_3] : memref<64x10xf32, #tpu.memory_space<vmem>>, vector<64x10xf32>
    %dot_general3A = arith.constant dense<0.000000e+00> : vector<256x10xf32>
    %dot_general3A_5 = tpu.matmul %get3A_1, %get3A_4, %dot_general3A {dimension_numbers = #tpu.dot_dimension_numbers<[1], [0], [0], [1], [0, 0, 1, 1], [], []>, transpose_lhs_hint = false} : vector<256x64xf32>, vector<64x10xf32>, vector<256x10xf32> -> vector<256x10xf32>
    %get3A_6 = arith.constant 0 : index
    %get3A_7 = arith.constant 0 : index
    %get3A_8 = vector.load %arg6[%get3A_6, %get3A_7] : memref<1x10xf32, #tpu.memory_space<vmem>>, vector<1x10xf32>
    %add3A = vector.broadcast %get3A_8 : vector<1x10xf32> to vector<256x10xf32>
    %add3A_9 = arith.addf %dot_general3A_5, %add3A : vector<256x10xf32>
    %get3A_10 = arith.constant 0 : index
    %get3A_11 = arith.constant 0 : index
    %get3A_12 = vector.load %arg7[%get3A_10, %get3A_11] : memref<64x2xf32, #tpu.memory_space<vmem>>, vector<64x2xf32>
    %dot_general3A_13 = arith.constant dense<0.000000e+00> : vector<256x2xf32>
    %dot_general3A_14 = tpu.matmul %get3A_1, %get3A_12, %dot_general3A_13 {dimension_numbers = #tpu.dot_dimension_numbers<[1], [0], [0], [1], [0, 0, 1, 1], [], []>, transpose_lhs_hint = false} : vector<256x64xf32>, vector<64x2xf32>, vector<256x2xf32> -> vector<256x2xf32>
    %get3A_15 = arith.constant 0 : index
    %get3A_16 = arith.constant 0 : index
    %get3A_17 = vector.load %arg8[%get3A_15, %get3A_16] : memref<1x2xf32, #tpu.memory_space<vmem>>, vector<1x2xf32>
    %add3A_18 = vector.broadcast %get3A_17 : vector<1x2xf32> to vector<256x2xf32>
    %add3A_19 = arith.addf %dot_general3A_14, %add3A_18 : vector<256x2xf32>
    %reduce_max3A = arith.constant dense<0xFF800000> : vector<256xf32>
    %reduce_max3A_20 = vector.multi_reduction <maximumf>, %add3A_19, %reduce_max3A [1] : vector<256x2xf32> to vector<256xf32>
    %broadcast_in_dim3A = vector.shape_cast %reduce_max3A_20 : vector<256xf32> to vector<256x1xf32>
    %sub3A = vector.broadcast %broadcast_in_dim3A : vector<256x1xf32> to vector<256x2xf32>
    %sub3A_21 = arith.subf %add3A_19, %sub3A : vector<256x2xf32>
    %exp3A = math.exp %sub3A_21 : vector<256x2xf32>
    %reduce_sum3A = arith.constant dense<0.000000e+00> : vector<256xf32>
    %reduce_sum3A_22 = vector.multi_reduction <add>, %exp3A, %reduce_sum3A [1] : vector<256x2xf32> to vector<256xf32>
    %broadcast_in_dim3A_23 = vector.shape_cast %reduce_sum3A_22 : vector<256xf32> to vector<256x1xf32>
    %div3A = vector.broadcast %broadcast_in_dim3A_23 : vector<256x1xf32> to vector<256x2xf32>
    %div3A_24 = arith.divf %exp3A, %div3A : vector<256x2xf32>
    %slice3A = vector.extract_strided_slice %div3A_24 {offsets = [0, 0], sizes = [256, 1], strides = [1, 1]} : vector<256x2xf32> to vector<256x1xf32>
    %get3A_25 = arith.constant 0 : index
    %get3A_26 = arith.constant 0 : index
    %get3A_27 = vector.load %arg3[%get3A_25, %get3A_26] : memref<256x128xf32, #tpu.memory_space<vmem>>, vector<256x64xf32>
    %mul3A = vector.broadcast %slice3A : vector<256x1xf32> to vector<256x64xf32>
    %mul3A_28 = arith.mulf %mul3A, %get3A_27 : vector<256x64xf32>
    %slice3A_29 = vector.extract_strided_slice %div3A_24 {offsets = [0, 1], sizes = [256, 1], strides = [1, 1]} : vector<256x2xf32> to vector<256x1xf32>
    %get3A_30 = arith.constant 0 : index
    %get3A_31 = arith.constant 0 : index
    %get3A_32 = vector.load %arg4[%get3A_30, %get3A_31] : memref<256x128xf32, #tpu.memory_space<vmem>>, vector<256x64xf32>
    %mul3A_33 = vector.broadcast %slice3A_29 : vector<256x1xf32> to vector<256x64xf32>
    %mul3A_34 = arith.mulf %mul3A_33, %get3A_32 : vector<256x64xf32>
    %add3A_35 = arith.addf %mul3A_28, %mul3A_34 : vector<256x64xf32>
    %swap3A = arith.constant 0 : index
    %swap3A_36 = arith.constant 0 : index
    %swap3A_37 = vector.load %arg13[%swap3A, %swap3A_36] : memref<256x64xf32, #tpu.memory_space<vmem>>, vector<256x64xf32>
    tpu.vector_store %arg13[%swap3A, %swap3A_36], %add3A_35 {strides = array<i32>} : memref<256x64xf32, #tpu.memory_space<vmem>>, vector<256x64xf32>,
    %get3A_38 = arith.constant 0 : index
    %get3A_39 = arith.constant 0 : index
    %get3A_40 = vector.load %arg2[%get3A_38, %get3A_39] : memref<256x3200xf32, #tpu.memory_space<vmem>>, vector<256x3200xf32>
    %slice3A_41 = vector.extract_strided_slice %add3A_9 {offsets = [0, 0], sizes = [256, 1], strides = [1, 1]} : vector<256x10xf32> to vector<256x1xf32>
    %slice3A_42 = vector.extract_strided_slice %add3A_9 {offsets = [0, 4], sizes = [256, 1], strides = [1, 1]} : vector<256x10xf32> to vector<256x1xf32>
    %mul3A_43 = arith.constant 1.05070102 : f32
    %mul3A_44 = vector.broadcast %mul3A_43 : f32 to vector<256x1xf32>
    %mul3A_45 = arith.mulf %mul3A_44, %slice3A_42 : vector<256x1xf32>
    %add3A_46 = arith.addf %slice3A_41, %mul3A_45 : vector<256x1xf32>
    %slice3A_47 = vector.extract_strided_slice %add3A_9 {offsets = [0, 2], sizes = [256, 1], strides = [1, 1]} : vector<256x10xf32> to vector<256x1xf32>
    %add3A_48 = arith.addf %add3A_46, %slice3A_47 : vector<256x1xf32>
    %slice3A_49 = vector.extract_strided_slice %add3A_9 {offsets = [0, 3], sizes = [256, 1], strides = [1, 1]} : vector<256x10xf32> to vector<256x1xf32>
    %add3A_50 = arith.addf %add3A_48, %slice3A_49 : vector<256x1xf32>
    %slice3A_51 = vector.extract_strided_slice %add3A_9 {offsets = [0, 6], sizes = [256, 1], strides = [1, 1]} : vector<256x10xf32> to vector<256x1xf32>
    %add3A_52 = arith.addf %add3A_50, %slice3A_51 : vector<256x1xf32>
    %slice3A_53 = vector.extract_strided_slice %add3A_9 {offsets = [0, 0], sizes = [256, 1], strides = [1, 1]} : vector<256x10xf32> to vector<256x1xf32>
    %slice3A_54 = vector.extract_strided_slice %add3A_9 {offsets = [0, 4], sizes = [256, 1], strides = [1, 1]} : vector<256x10xf32> to vector<256x1xf32>
    %mul3A_55 = arith.constant 1.75809932 : f32
    %mul3A_56 = vector.broadcast %mul3A_55 : f32 to vector<256x1xf32>
    %mul3A_57 = arith.mulf %mul3A_56, %slice3A_54 : vector<256x1xf32>
    %add3A_58 = arith.addf %slice3A_53, %mul3A_57 : vector<256x1xf32>
    %slice3A_59 = vector.extract_strided_slice %add3A_9 {offsets = [0, 2], sizes = [256, 1], strides = [1, 1]} : vector<256x10xf32> to vector<256x1xf32>
    %gt3A = arith.constant 0.000000e+00 : f32
    %gt3A_60 = vector.broadcast %gt3A : f32 to vector<256x3200xf32>
    %gt3A_61 = arith.cmpf ogt, %get3A_40, %gt3A_60 : vector<256x3200xf32>
    %abs3A = math.absf %get3A_40 : vector<256x3200xf32>
    %neg3A = arith.constant 0.000000e+00 : f32
    %neg3A_62 = vector.broadcast %neg3A : f32 to vector<256x3200xf32>
    %neg3A_63 = arith.subf %neg3A_62, %abs3A : vector<256x3200xf32>
    %exp3A_64 = math.exp %neg3A_63 : vector<256x3200xf32>
    %log1p3A = math.log1p %exp3A_64 : vector<256x3200xf32>
    %add3A_65 = arith.constant 1.000000e+00 : f32
    %add3A_66 = vector.broadcast %add3A_65 : f32 to vector<256x3200xf32>
    %add3A_67 = arith.addf %add3A_66, %exp3A_64 : vector<256x3200xf32>
    %div3A_68 = arith.constant 1.000000e+00 : f32
    %div3A_69 = vector.broadcast %div3A_68 : f32 to vector<256x3200xf32>
    %div3A_70 = arith.divf %div3A_69, %add3A_67 : vector<256x3200xf32>
    %mul3A_71 = arith.mulf %exp3A_64, %div3A_70 : vector<256x3200xf32>
    %select_n3A = arith.select %gt3A_61, %div3A_70, %mul3A_71 : vector<256x3200xi1>, vector<256x3200xf32>
    %mul3A_72 = arith.mulf %exp3A_64, %exp3A_64 : vector<256x3200xf32>
    %add3A_73 = arith.constant 1.000000e+00 : f32
    %add3A_74 = vector.broadcast %add3A_73 : f32 to vector<256x3200xf32>
    %add3A_75 = arith.addf %add3A_74, %mul3A_72 : vector<256x3200xf32>
    %div3A_76 = arith.constant 1.000000e+00 : f32
    %div3A_77 = vector.broadcast %div3A_76 : f32 to vector<256x3200xf32>
    %div3A_78 = arith.divf %div3A_77, %add3A_75 : vector<256x3200xf32>
    %mul3A_79 = arith.constant 2.000000e+00 : f32
    %mul3A_80 = vector.broadcast %mul3A_79 : f32 to vector<256x3200xf32>
    %mul3A_81 = arith.mulf %mul3A_80, %div3A_78 : vector<256x3200xf32>
    %sub3A_82 = arith.constant 1.000000e+00 : f32
    %sub3A_83 = vector.broadcast %sub3A_82 : f32 to vector<256x3200xf32>
    %sub3A_84 = arith.subf %mul3A_81, %sub3A_83 : vector<256x3200xf32>
    %mul3A_85 = arith.constant 2.000000e+00 : f32
    %mul3A_86 = vector.broadcast %mul3A_85 : f32 to vector<256x3200xf32>
    %mul3A_87 = arith.mulf %mul3A_86, %div3A_78 : vector<256x3200xf32>
    %sub3A_88 = arith.constant 1.000000e+00 : f32
    %sub3A_89 = vector.broadcast %sub3A_88 : f32 to vector<256x3200xf32>
    %sub3A_90 = arith.subf %sub3A_89, %mul3A_87 : vector<256x3200xf32>
    %select_n3A_91 = arith.select %gt3A_61, %sub3A_84, %sub3A_90 : vector<256x3200xi1>, vector<256x3200xf32>
    %add3A_92 = arith.constant 1.000000e+00 : f32
    %add3A_93 = vector.broadcast %add3A_92 : f32 to vector<256x3200xf32>
    %add3A_94 = arith.addf %add3A_93, %abs3A : vector<256x3200xf32>
    %div3A_95 = arith.divf %get3A_40, %add3A_94 : vector<256x3200xf32>
    %mul3A_96 = arith.constant 0.166666672 : f32
    %mul3A_97 = vector.broadcast %mul3A_96 : f32 to vector<256x3200xf32>
    %mul3A_98 = arith.mulf %get3A_40, %mul3A_97 : vector<256x3200xf32>
    %add3A_99 = arith.constant 5.000000e-01 : f32
    %add3A_100 = vector.broadcast %add3A_99 : f32 to vector<256x3200xf32>
    %add3A_101 = arith.addf %mul3A_98, %add3A_100 : vector<256x3200xf32>
    %jit3A = arith.constant 0.000000e+00 : f32
    %jit3A_102 = arith.constant 1.000000e+00 : f32
    %max3A = vector.broadcast %jit3A : f32 to vector<256x3200xf32>
    %max3A_103 = arith.maximumf %max3A, %add3A_101 : vector<256x3200xf32>
    %min3A = vector.broadcast %jit3A_102 : f32 to vector<256x3200xf32>
    %min3A_104 = arith.minimumf %min3A, %max3A_103 : vector<256x3200xf32>
    %mul3A_105 = vector.broadcast %add3A_52 : vector<256x1xf32> to vector<256x3200xf32>
    %mul3A_106 = arith.mulf %mul3A_105, %get3A_40 : vector<256x3200xf32>
    %mul3A_107 = vector.broadcast %slice3A_59 : vector<256x1xf32> to vector<256x3200xf32>
    %mul3A_108 = arith.mulf %mul3A_107, %get3A_40 : vector<256x3200xf32>
    %sub3A_109 = arith.constant 1.000000e+00 : f32
    %sub3A_110 = vector.broadcast %sub3A_109 : f32 to vector<256x3200xf32>
    %sub3A_111 = arith.subf %exp3A_64, %sub3A_110 : vector<256x3200xf32>
    %mul3A_112 = vector.broadcast %add3A_58 : vector<256x1xf32> to vector<256x3200xf32>
    %mul3A_113 = arith.mulf %mul3A_112, %sub3A_111 : vector<256x3200xf32>
    %add3A_114 = arith.addf %mul3A_108, %mul3A_113 : vector<256x3200xf32>
    %select_n3A_115 = arith.select %gt3A_61, %mul3A_106, %add3A_114 : vector<256x3200xi1>, vector<256x3200xf32>
    %slice3A_116 = vector.extract_strided_slice %add3A_9 {offsets = [0, 1], sizes = [256, 1], strides = [1, 1]} : vector<256x10xf32> to vector<256x1xf32>
    %slice3A_117 = vector.extract_strided_slice %add3A_9 {offsets = [0, 8], sizes = [256, 1], strides = [1, 1]} : vector<256x10xf32> to vector<256x1xf32>
    %mul3A_118 = vector.broadcast %slice3A_117 : vector<256x1xf32> to vector<256x3200xf32>
    %mul3A_119 = arith.mulf %mul3A_118, %get3A_40 : vector<256x3200xf32>
    %add3A_120 = vector.broadcast %slice3A_116 : vector<256x1xf32> to vector<256x3200xf32>
    %add3A_121 = arith.addf %add3A_120, %mul3A_119 : vector<256x3200xf32>
    %mul3A_122 = arith.mulf %add3A_121, %min3A_104 : vector<256x3200xf32>
    %add3A_123 = arith.addf %select_n3A_115, %mul3A_122 : vector<256x3200xf32>
    %slice3A_124 = vector.extract_strided_slice %add3A_9 {offsets = [0, 6], sizes = [256, 1], strides = [1, 1]} : vector<256x10xf32> to vector<256x1xf32>
    %mul3A_125 = vector.broadcast %slice3A_124 : vector<256x1xf32> to vector<256x3200xf32>
    %mul3A_126 = arith.mulf %mul3A_125, %log1p3A : vector<256x3200xf32>
    %add3A_127 = arith.addf %add3A_123, %mul3A_126 : vector<256x3200xf32>
    %slice3A_128 = vector.extract_strided_slice %add3A_9 {offsets = [0, 7], sizes = [256, 1], strides = [1, 1]} : vector<256x10xf32> to vector<256x1xf32>
    %mul3A_129 = vector.broadcast %slice3A_128 : vector<256x1xf32> to vector<256x3200xf32>
    %mul3A_130 = arith.mulf %mul3A_129, %div3A_95 : vector<256x3200xf32>
    %add3A_131 = arith.addf %add3A_127, %mul3A_130 : vector<256x3200xf32>
    %slice3A_132 = vector.extract_strided_slice %add3A_9 {offsets = [0, 9], sizes = [256, 1], strides = [1, 1]} : vector<256x10xf32> to vector<256x1xf32>
    %mul3A_133 = vector.broadcast %slice3A_132 : vector<256x1xf32> to vector<256x3200xf32>
    %mul3A_134 = arith.mulf %mul3A_133, %select_n3A_91 : vector<256x3200xf32>
    %add3A_135 = arith.addf %add3A_131, %mul3A_134 : vector<256x3200xf32>
    %slice3A_136 = vector.extract_strided_slice %add3A_9 {offsets = [0, 5], sizes = [256, 1], strides = [1, 1]} : vector<256x10xf32> to vector<256x1xf32>
    %mul3A_137 = vector.broadcast %slice3A_136 : vector<256x1xf32> to vector<256x3200xf32>
    %mul3A_138 = arith.mulf %mul3A_137, %select_n3A : vector<256x3200xf32>
    %add3A_139 = arith.addf %add3A_135, %mul3A_138 : vector<256x3200xf32>
    %swap3A_140 = arith.constant 0 : index
    %swap3A_141 = arith.constant 0 : index
    %swap3A_142 = vector.load %arg12[%swap3A_140, %swap3A_141] : memref<256x3200xf32, #tpu.memory_space<vmem>>, vector<256x3200xf32>
    tpu.vector_store %arg12[%swap3A_140, %swap3A_141], %add3A_139 {strides = array<i32>} : memref<256x3200xf32, #tpu.memory_space<vmem>>, vector<256x3200xf32>,
    %get3A_143 = arith.constant 0 : index
    %get3A_144 = arith.constant 0 : index
    %get3A_145 = vector.load %arg10[%get3A_143, %get3A_144] : memref<64x3200xf32, #tpu.memory_space<vmem>>, vector<64x3200xf32>
    %dot_general3A_146 = arith.constant dense<0.000000e+00> : vector<256x3200xf32>
    %dot_general3A_147 = tpu.matmul %add3A_35, %get3A_145, %dot_general3A_146 {dimension_numbers = #tpu.dot_dimension_numbers<[1], [0], [0], [1], [0, 0, 1, 1], [], []>, transpose_lhs_hint = false} : vector<256x64xf32>, vector<64x3200xf32>, vector<256x3200xf32> -> vector<256x3200xf32>
    %mul3A_148 = arith.mulf %add3A_139, %add3A_139 : vector<256x3200xf32>
    %get3A_149 = arith.constant 0 : index
    %get3A_150 = arith.constant 0 : index
    %get3A_151 = vector.load %arg9[%get3A_149, %get3A_150] : memref<3200x50xf32, #tpu.memory_space<vmem>>, vector<3200x50xf32>
    %dot_general3A_152 = arith.constant dense<0.000000e+00> : vector<256x50xf32>
    %dot_general3A_153 = tpu.matmul %mul3A_148, %get3A_151, %dot_general3A_152 {dimension_numbers = #tpu.dot_dimension_numbers<[1], [0], [0], [1], [0, 0, 1, 1], [], []>, transpose_lhs_hint = false} : vector<256x3200xf32>, vector<3200x50xf32>, vector<256x50xf32> -> vector<256x50xf32>
    %mul3A_154 = arith.mulf %add3A_139, %dot_general3A_147 : vector<256x3200xf32>
    %get3A_155 = arith.constant 0 : index
    %get3A_156 = arith.constant 0 : index
    %get3A_157 = vector.load %arg9[%get3A_155, %get3A_156] : memref<3200x50xf32, #tpu.memory_space<vmem>>, vector<3200x50xf32>
    %dot_general3A_158 = arith.constant dense<0.000000e+00> : vector<256x50xf32>
    %dot_general3A_159 = tpu.matmul %mul3A_154, %get3A_157, %dot_general3A_158 {dimension_numbers = #tpu.dot_dimension_numbers<[1], [0], [0], [1], [0, 0, 1, 1], [], []>, transpose_lhs_hint = false} : vector<256x3200xf32>, vector<3200x50xf32>, vector<256x50xf32> -> vector<256x50xf32>
    %mul3A_160 = arith.mulf %add3A_35, %add3A_35 : vector<256x64xf32>
    %reduce_sum3A_161 = arith.constant dense<0.000000e+00> : vector<256xf32>
    %reduce_sum3A_162 = vector.multi_reduction <add>, %mul3A_160, %reduce_sum3A_161 [1] : vector<256x64xf32> to vector<256xf32>
    %broadcast_in_dim3A_163 = vector.shape_cast %reduce_sum3A_162 : vector<256xf32> to vector<256x1xf32>
    %sqrt3A = math.sqrt %dot_general3A_153 : vector<256x50xf32>
    %div3A_164 = arith.divf %dot_general3A_159, %sqrt3A : vector<256x50xf32>
    %sqrt3A_165 = math.sqrt %broadcast_in_dim3A_163 : vector<256x1xf32>
    %div3A_166 = vector.broadcast %sqrt3A_165 : vector<256x1xf32> to vector<256x50xf32>
    %div3A_167 = arith.divf %div3A_164, %div3A_166 : vector<256x50xf32>
    %swap3A_168 = arith.constant 0 : index
    %swap3A_169 = arith.constant 0 : index
    %swap3A_170 = vector.load %arg11[%swap3A_168, %swap3A_169] : memref<256x50xf32, #tpu.memory_space<vmem>>, vector<256x50xf32>
    tpu.vector_store %arg11[%swap3A_168, %swap3A_169], %div3A_167 {strides = array<i32>} : memref<256x50xf32, #tpu.memory_space<vmem>>, vector<256x50xf32>,
    return
  }
  func.func @transform_0(%arg0: i32) -> (i32, i32) {
    %c0_i32 = arith.constant 0 : i32
    %c0_i32_0 = arith.constant 0 : i32
    return %arg0, %c0_i32 : i32, i32
  }
  func.func @transform_1(%arg0: i32) -> (i32, i32) {
    %c0_i32 = arith.constant 0 : i32
    %c0_i32_0 = arith.constant 0 : i32
    return %arg0, %c0_i32 : i32, i32
  }
  func.func @transform_2(%arg0: i32) -> (i32, i32) {
    %c0_i32 = arith.constant 0 : i32
    %c0_i32_0 = arith.constant 0 : i32
    return %arg0, %c0_i32 : i32, i32
  }
  func.func @transform_3(%arg0: i32) -> (i32, i32) {
    %add3A = arith.constant 16 : i32
    %add3A_0 = arith.addi %arg0, %add3A : i32
    %c0_i32 = arith.constant 0 : i32
    %c0_i32_1 = arith.constant 0 : i32
    return %add3A_0, %c0_i32 : i32, i32
  }
  func.func @transform_4(%arg0: i32) -> (i32, i32) {
    %c0_i32 = arith.constant 0 : i32
    %c0_i32_0 = arith.constant 0 : i32
    %c0_i32_1 = arith.constant 0 : i32
    return %c0_i32, %c0_i32_0 : i32, i32
  }
  func.func @transform_5(%arg0: i32) -> (i32, i32) {
    %c0_i32 = arith.constant 0 : i32
    %c0_i32_0 = arith.constant 0 : i32
    %c0_i32_1 = arith.constant 0 : i32
    return %c0_i32, %c0_i32_0 : i32, i32
  }
  func.func @transform_6(%arg0: i32) -> (i32, i32) {
    %c0_i32 = arith.constant 0 : i32
    %c0_i32_0 = arith.constant 0 : i32
    %c0_i32_1 = arith.constant 0 : i32
    return %c0_i32, %c0_i32_0 : i32, i32
  }
  func.func @transform_7(%arg0: i32) -> (i32, i32) {
    %c0_i32 = arith.constant 0 : i32
    %c0_i32_0 = arith.constant 0 : i32
    %c0_i32_1 = arith.constant 0 : i32
    return %c0_i32, %c0_i32_0 : i32, i32
  }
  func.func @transform_8(%arg0: i32) -> (i32, i32) {
    %c0_i32 = arith.constant 0 : i32
    %c0_i32_0 = arith.constant 0 : i32
    %c0_i32_1 = arith.constant 0 : i32
    return %c0_i32, %c0_i32_0 : i32, i32
  }
  func.func @transform_9(%arg0: i32) -> (i32, i32) {
    %c0_i32 = arith.constant 0 : i32
    %c0_i32_0 = arith.constant 0 : i32
    %c0_i32_1 = arith.constant 0 : i32
    return %c0_i32, %c0_i32_0 : i32, i32
  }
  func.func @transform_10(%arg0: i32) -> (i32, i32) {
    %c0_i32 = arith.constant 0 : i32
    %c0_i32_0 = arith.constant 0 : i32
    return %arg0, %c0_i32 : i32, i32
  }
  func.func @transform_11(%arg0: i32) -> (i32, i32) {
    %c0_i32 = arith.constant 0 : i32
    %c0_i32_0 = arith.constant 0 : i32
    return %arg0, %c0_i32 : i32, i32
  }
  func.func @transform_12(%arg0: i32) -> (i32, i32) {
    %c0_i32 = arith.constant 0 : i32
    %c0_i32_0 = arith.constant 0 : i32
    return %arg0, %c0_i32 : i32, i32
  }
}

</mosaic_0001>

<sc_bundles>
// kernel: kernel.4.cloned.1.call-start
scs
__scs_entry_jumppad:
0x0: {  	(pc) =	sbr.rel $0x88, $3  }
0x1: {  	(tag) =	ssettag $0x0;
	lr =	simm.s32 $0x1  }
0x2: {  	[smem:$0x3F97] =	sst lr;
	_ =	strace $0xD0000000  }
0x3: {  	_ = 	snop  }
0x4: {  	_ = 	snop  }
0x5: {  	_ = 	snop  }
0x6: {  	_ = 	snop  }
0x7: {  	_ = 	snop  }
__scs_overlays_trampoline_lowered:
0x8: {  	[smem:$0x3FA6] =	sst s0  }
0x9: {  	[smem:$0x3FA7] =	sst s1  }
0xa: {  	[smem:$0x3FA8] =	sst s2  }
0xb: {  	[smem:$0x3FA9] =	sst s3  }
0xc: {  	[smem:$0x3FAA] =	sst s4  }
0xd: {  	[smem:$0x3FAB] =	sst s5  }
0xe: {  	[smem:$0x3FAC] =	sst s6  }
0xf: {  	[smem:$0x3FAD] =	sst s7  }
0x10: {  	[smem:$0x3FAE] =	sst s8  }
0x11: {  	[smem:$0x3FAF] =	sst s9;
	s0 =	simm.s32 @!p0 $0x0  }
0x12: {  	s1 =	sld [smem:$0x3F95];
	s0 =	simm.s32 @p0 $0x1  }
0x13: {  	[smem:$0x3FB0] =	sst s0;
	s0 =	simm.s32 @!p1 $0x0  }
0x14: {  	s2 =	sld [smem:$0x3F94];
	s0 =	simm.s32 @p1 $0x1  }
0x15: {  	[smem:$0x3FB1] =	sst s0;
	s0 =	simm.s32 @!p2 $0x0  }
0x16: {  	s3 =	sld [smem:$0x3FDB];
	s0 =	simm.s32 @p2 $0x1  }
0x17: {  	s4 =	simm.s32 $0x1BF5;
	[smem:$0x3FB3] =	sst s0  }
0x18: {  	s0 =	sld [smem:$0x3F96];
	_ =	swait.ge [sflag:s4], $0x0  }
0x19: {  	s7 =	sld [smem:$0x3F97]  }
0x1a: {  	s8 =	sadd.s32 $0xFFFFE003, lr  }
0x1b: {  	s9 =	sadd.s32 $0xFFFFFEF7, lr;
	s5 =	simm.s32 $0xFFFFFFFF;
	p2 =	slt.u32 s8, $0xFFFFF086  }
0x1c: {  	p1 =	slt.u32 s9, $0xF7A;
	s5 =	simm.s32 @!p2 $0x0  }
0x1d: {  	s5 =	simm.s32 @p1 $0x1;
	p0 =	seq.s32 s7, s2  }
0x1e: {  	s7 =	smul.u32 @!p0 $0xF7A, s2;
	p2 =	seq.s32 @!p0 s5, $0x0  }
0x1f: {  	s9 =	smul.u32 $0xF7A, s1;
	s8 =	simm.s32 @!p0 $0x1BF5;
	p2 =	por !p2, p0  }
0x20: {  	[sflag:s8] =	ssyncset.s32 @!p0 $0xFFFFF086;
	s6 =	sadd.s32 @!p0 s3, s7;
	s7 =	simm.s32 @!p0 $0x108  }
0x21: {  	s3 =	sadd.s32 s3, s9;
	s6 =	sadd.s32 @!p0 $0x88, s6;
	s7 =	simm.s32 @p2 $0x1082  }
0x22: {  	[simem:s7], [sflag:s8] =	dma.local @!p0 [hbm:s6], $0xF7A  }
0x23: {  	s9 =	sor.u32 $0xD0000000, s2;
	s6 =	simm.s32 $0x108;
	_ =	swait.ge @!p0 [sflag:s8], $0x0  }
0x24: {  	s3 =	sadd.s32 $0x88, s3;
	s6 =	simm.s32 @!p1 $0x1082;
	[sflag:s4] =	ssyncset.s32 $0xFFFFF086  }
0x25: {  	[simem:s6], [sflag:s4] =	dma.local [hbm:s3], $0xF7A  }
0x26: {  	[smem:$0x3F97] =	sst s1;
	(tag) =	ssettag s2;
	_ =	strace s9  }
0x27: {  	s1 =	sld [smem:$0x3FA7]  }
0x28: {  	s2 =	sld [smem:$0x3FA8]  }
0x29: {  	s4 =	sld [smem:$0x3FAA]  }
0x2a: {  	p0 =	seq.s32 s5, $0x0;
	s5 =	sld [smem:$0x3FAB]  }
0x2b: {  	s6 =	sld [smem:$0x3FAC]  }
0x2c: {  	s7 =	sld [smem:$0x3FAD]  }
0x2d: {  	s3 =	simm.s32 $0x108;
	s8 =	sld [smem:$0x3FAE]  }
0x2e: {  	s3 =	simm.s32 @!p0 $0x1082;
	s9 =	sld [smem:$0x3FAF]  }
0x2f: {  	lr =	sadd.s32 s0, s3;
	s0 =	sld [smem:$0x3FA6]  }
0x30: {  	s3 =	sld [smem:$0x3FA9]  }
0x31: {  	[smem:$0x3FB2] =	sst s10  }
0x32: {  	s10 =	sld [smem:$0x3FB0];
	_ =	sdelay $0x3  }
0x33: {  	p0 =	seq.s32 s10, $0x1;
	s10 =	sld [smem:$0x3FB2];
	_ =	sdelay $0x3  }
0x34: {  	[smem:$0x3FB2] =	sst s10  }
0x35: {  	s10 =	sld [smem:$0x3FB1];
	_ =	sdelay $0x3  }
0x36: {  	p1 =	seq.s32 s10, $0x1;
	s10 =	sld [smem:$0x3FB2];
	_ =	sdelay $0x3  }
0x37: {  	[smem:$0x3FB2] =	sst s10  }
0x38: {  	s10 =	sld [smem:$0x3FB3]  }
0x39: {  	_ = 	snop;
	(pc) =	sbr.ind lr, $3  }
0x3a: {  	_ = 	snop  }
0x3b: {  	_ = 	snop  }
0x3c: {  	p2 =	seq.s32 s10, $0x1;
	s10 =	sld [smem:$0x3FB2]  }
0x3d: {  	_ =	shalt  }
0x3e: {  	_ =	shalt  }
0x3f: {  	_ =	shalt  }
0x40: {  	_ =	shalt  }
0x41: {  	_ =	shalt  }
0x42: {  	_ =	shalt  }
0x43: {  	_ =	shalt  }
0x44: {  	_ =	shalt  }
0x45: {  	_ =	shalt  }
0x46: {  	_ =	shalt  }
0x47: {  	_ =	shalt  }
0x48: {  	_ =	shalt  }
0x49: {  	_ =	shalt  }
0x4a: {  	_ =	shalt  }
0x4b: {  	_ =	shalt  }
0x4c: {  	_ =	shalt  }
0x4d: {  	_ =	shalt  }
0x4e: {  	_ =	shalt  }
0x4f: {  	_ =	shalt  }
0x50: {  	_ =	shalt  }
0x51: {  	_ =	shalt  }
0x52: {  	_ =	shalt  }
0x53: {  	_ =	shalt  }
0x54: {  	_ =	shalt  }
0x55: {  	_ =	shalt  }
0x56: {  	_ =	shalt  }
0x57: {  	_ =	shalt  }
0x58: {  	_ =	shalt  }
0x59: {  	_ =	shalt  }
0x5a: {  	_ =	shalt  }
0x5b: {  	_ =	shalt  }
0x5c: {  	_ =	shalt  }
0x5d: {  	_ =	shalt  }
0x5e: {  	_ =	shalt  }
0x5f: {  	_ =	shalt  }
0x60: {  	_ =	shalt  }
0x61: {  	_ =	shalt  }
0x62: {  	_ =	shalt  }
0x63: {  	_ =	shalt  }
0x64: {  	_ =	shalt  }
0x65: {  	_ =	shalt  }
0x66: {  	_ =	shalt  }
0x67: {  	_ =	shalt  }
0x68: {  	_ =	shalt  }
0x69: {  	_ =	shalt  }
0x6a: {  	_ =	shalt  }
0x6b: {  	_ =	shalt  }
0x6c: {  	_ =	shalt  }
0x6d: {  	_ =	shalt  }
0x6e: {  	_ =	shalt  }
0x6f: {  	_ =	shalt  }
0x70: {  	_ =	shalt  }
0x71: {  	_ =	shalt  }
0x72: {  	_ =	shalt  }
0x73: {  	_ =	shalt  }
0x74: {  	_ =	shalt  }
0x75: {  	_ =	shalt  }
0x76: {  	_ =	shalt  }
0x77: {  	_ =	shalt  }
0x78: {  	_ =	shalt  }
0x79: {  	_ =	shalt  }
0x7a: {  	_ =	shalt  }
0x7b: {  	_ =	shalt  }
0x7c: {  	_ =	shalt  }
0x7d: {  	_ =	shalt  }
0x7e: {  	_ =	shalt  }
0x7f: {  	_ =	shalt  }
0x80: {  	_ =	shalt  }
0x81: {  	_ =	shalt  }
0x82: {  	_ =	shalt  }
0x83: {  	_ =	shalt  }
0x84: {  	_ =	shalt  }
0x85: {  	_ =	shalt  }
0x86: {  	_ =	shalt  }
0x87: {  	_ =	shalt  }
.Lfunc_end0:
.L_simem_size_0:
called_computation_lowered:
.L_overlay_start_0:
0x88: {  	s2 =	sld [smem:$0x3FD9]  }
0x89: {  	s3 =	sld [smem:$0x3FFE];
	_ =	sdelay $0x1  }
0x8a: {  	s1 =	srdreg.scid  }
0x8b: {  	s0 =	sand.u32 $0x1, s1  }
0x8c: {  	s14 =	sshll.u32 s0, $0xA;
	s2 =	sadd.s32 s3, s2  }
0x8d: {  	s2 =	sadd.s32 s2, s14  }
0x8e: {  	[smem:$0x3FBE] =	sst s2  }
0x8f: {  	_ = 	snop  }
0x90: {  	s2 =	sld [smem:$0x3FD0];
	_ =	sdelay $0x2  }
0x91: {  	s15 =	simm.s32 $0xA;
	s4 =	simm.s32 $0x10  }
0x92: {  	[smem:s4], [sflag:s15] =	dma.local [hbm:s2], $0x1  }
0x93: {  	_ =	swait.eq [sflag:s15], $0x1  }
0x94: {  	[sflag:s15] =	ssyncset.done $0x0  }
0x95: {  	s16 =	sld [smem:$0x10];
	[sflag:s15] =	ssyncadd.s32 $0xFFFFFFFF  }
0x96: {  	s17 =	sld [smem:$0x12];
	(tm) =	ssettm $0x1  }
0x97: {  	s18 =	sld [smem:$0x3FFB];
	_ =	sdelay $0x3  }
0x98: {  	_ =	strace s18  }
0x99: {  	s4 =	sld [smem:$0x3FFC];
	_ =	sdelay $0x3  }
0x9a: {  	_ =	strace s4  }
0x9b: {  	s4 =	sld [smem:$0x3FFD];
	_ =	sdelay $0x3  }
0x9c: {  	_ =	strace s4  }
0x9d: {  	_ =	strace $0x8FFFFFFF  }
0x9e: {  	s19 =	sld [smem:$0x3FDB];
	_ =	sdelay $0x1  }
0x9f: {  	s5 =	simm.s32 $_scs_section_size  }
0xa0: {  	s6 =	simm.s32 $_size__tile_overlayer_lowered;
	s7 =	simm.s32 $_tile_overlayer_lowered  }
0xa1: {  	s22 =	simm.s32 $0x1BFF;
	s21 =	sshll.u32 s7, $0x1;
	s4 =	sadd.s32 s5, s19  }
0xa2: {  	s8 =	simm.s32 $0x0;
	s20 =	sshll.u32 s6, $0x1;
	s6 =	sadd.s32 s21, s4  }
0xa3: {  	[timem:s8], [sflag:s22] =	dma.local [hbm:s6], s20  }
0xa4: {  	_ =	swait.ge [sflag:s22], s20  }
0xa5: {  	s5 =	ssub.s32 $0x0, s20;
	[sflag:s22] =	ssyncset.done $0x0  }
0xa6: {  	[sflag:s22] =	ssyncadd.s32 s5;
	_ =	sdelay $0x1  }
0xa7: {  	s23 =	simm.s32 $0x1B8B  }
0xa8: {  	_ =	swait.ge [sflag:s23], $0x1  }
0xa9: {  	[sflag:s23] =	ssyncset.done $0x0  }
0xaa: {  	s25 =	simm.s32 $0x1B8E;
	s24 =	sld [smem:$0x3FFE];
	[sflag:s23] =	ssyncadd.s32 $0xFFFFFFFF  }
0xab: {  	s26 =	simm.s32 $execute0_lowered;
	[smem:$0x3FD2] =	sst s25  }
0xac: {  	s6 =	sshll.u32 s26, $0x1;
	_ =	strace $0x80000046;
	[dreg:$0x1] =	wrdreg $0xFFFFFFFF  }
0xad: {  	s28 =	simm.s32 $_size_execute0_lowered;
	s4 =	sadd.s32 s4, s6;
	[dreg:$0x0] =	wrdreg $0x0  }
0xae: {  	s6 =	sshll.u32 s28, $0x1;
	[dreg:$0x2] =	wrdreg s4  }
0xaf: {  	[dreg:$0x3] =	wrdreg s6  }
0xb0: {  	[dreg:$0x4] =	wrdreg $0xC0  }
0xb1: {  	_ =	task [dreg:s8], $0x5FFFF  }
0xb2: {  	[dreg:$0x1] =	wrdreg $0xFFFFFFFF  }
0xb3: {  	[dreg:$0x0] =	wrdreg $0x60  }
0xb4: {  	[dreg:$0x2] =	wrdreg s17  }
0xb5: {  	[dreg:$0x3] =	wrdreg s16  }
0xb6: {  	[dreg:$0x4] =	wrdreg s24  }
0xb7: {  	[dreg:$0x5] =	wrdreg $0x9  }
0xb8: {  	_ =	task.clear_ibuf [dreg:s8], $0x6FFFF;
	_ =	strace $0x90000046  }
0xb9: {  	s29 =	simm.s32 $0x9;
	_ =	strace $0x80000048  }
0xba: {  	_ =	swait.ge [sflag:s29], $0x1  }
0xbb: {  	[sflag:s29] =	ssyncadd.s32 $0xFFFFFFFF  }
0xbc: {  	_ =	strace $0x90000048  }
0xbd: {  	_ =	sfence  }
0xbe: {  	s30 =	sld [smem:$0x0];
	_ =	sdelay $0x2  }
0xbf: {  	s31 =	sshll.u32 s1, $0xD;
	s1 =	sshrl.u32 s1, $0x2  }
0xc0: {  	s3 =	sand.u32 $0x4000, s31;
	s1 =	sadd.s32 s1, s30  }
0xc1: {  	s0 =	sor.u32 s3, s0;
	s1 =	sshll.u32 s1, $0x11  }
0xc2: {  	s0 =	sor.u32 s1, s0  }
0xc3: {  	s0 =	sadd.s32 $0x8F2B, s0  }
0xc4: {  	[sflag:s0] =	ssyncadd.remote.s32 $0x1  }
0xc5: {  	_ =	sfence.sel $0xFFFF  }
0xc6: {  	[dreg:$0x0] =	wrdreg $0xFFFFFFFF;
	(pc) =	sbr.abs _section_cstart, $3  }
0xc7: {  	[dreg:$0x1] =	wrdreg $0xFFFFFFFF  }
0xc8: {  	_ =	task.clear_ibuf [dreg:s8], $0x2FFFF;
	_ =	strace $0x9FFFFFFF  }
0xc9: {  	(tm) =	ssettm $0x7FFFFFFF  }
tec
execute0_lowered:
.L_overlay_start_1:
0x0: {  	(tag) =	ssettag $0x1  }
0x1: {  	s1 =	rddreg [dreg:$0x0];
	s2 =	srdreg.scid  }
0x2: {  	s4 =	rddreg [dreg:$0x1];
	s0 =	stileid.u32  }
0x3: {  	s8 =	rddreg [dreg:$0x2];
	s3 =	simm.s32 $0x0;
	s6 =	sand.u32 $0x1, s2  }
0x4: {  	s5 =	sshll.u32 s0, $0x9;
	s2 =	rddreg [dreg:$0x3];
	s7 =	sshll.u32 s6, $0x8  }
0x5: {  	[smem:$0x7FF] =	sst s3;
	s9 =	sor.u32 s7, s5  }
0x6: {  	_ =	strace $0x80000047;
	s10 =	ssub.s32 $0x2, s6;
	s5 =	sshrl.u32 s9, $0x3  }
0x7: {  	s6 =	simm.s32 $0x100;
	s5 =	sadd.s32 s4, s5;
	s4 =	simm.s32 $0x2  }
0x8: {  	[tilespmem:s3], [sflag:$0x2] =	stream.linear.gather [hbm4b:s5+s3], $0x100, $0x38;
	[tilespmem:$0x8100] =	vst v63  }
0x9: {  	s7 =	simm.s32 $0x1;
	s11 =	sshrl.u32 s10, $0x1;
	_ =	swait.ge [sflag:s4], $0x100  }
0xa: {  	s9 =	sshll.u32 s9, $0x4;
	s31 =	ssub.s32 s10, s11;
	[sflag:s4] =	ssyncset.done $0x0  }
0xb: {  	s8 =	sadd.s32 s9, s8;
	s9 =	smax.u32 s31, $0x1;
	[sflag:s4] =	ssyncadd.s32 $0xFFFFFF00  }
0xc: {  	[tilespmem:s6], [sflag:$0x1] =	stream.indirect.gather [hbm4b:s1+s6], $0x80, s3, s6, $0xb8;
	[tilespmem:$0x8100] =	vst v63  }
0xd: {  	p0 =	sne.s32 s9, $0x1;
	_ =	swait.ge [sflag:s7], $0x8000  }
.Ltmp0:
0xe: {  	[sflag:s7] =	ssyncset.done $0x0;
	(pc) =	sbr.rel @!p0 .LBB2_2-.Ltmp0, $4  }
0xf: {  	s8 =	sadd.s32 $0x1200, s8;
	[sflag:s7] =	ssyncadd.s32 $0xFFFF8000  }
0x10: {  	[hbm4b:s8+s3] =	stream.linear.scatter [tilespmem:s6], [sflag:$0x2], $0x8000, $0x38;
	[tilespmem:$0x8100] =	vst v63  }
0x11: {  	_ =	swait.ge [sflag:s4], $0x8000  }
0x12: {  	s9 =	sadd.s32 $0xFFFFFFFF, s9;
	[sflag:s4] =	ssyncset.done $0x0  }
.LBB2_1:
0x13: {  	p0 =	sne.s32 s9, $0x1;
	s9 =	sadd.s32 $0xFFFFFFFF, s9;
	[sflag:s4] =	ssyncadd.s32 $0xFFFF8000  }
0x14: {  	[tilespmem:s3], [sflag:$0x2] =	stream.linear.gather [hbm4b:s5+s3], $0x100, $0x38;
	[tilespmem:$0x8100] =	vst v63  }
0x15: {  	_ =	swait.ge [sflag:s4], $0x100  }
0x16: {  	[sflag:s4] =	ssyncset.done $0x0  }
0x17: {  	[sflag:s4] =	ssyncadd.s32 $0xFFFFFF00  }
0x18: {  	[tilespmem:s6], [sflag:$0x1] =	stream.indirect.gather [hbm4b:s1+s6], $0x80, s3, s6, $0xb8;
	[tilespmem:$0x8100] =	vst v63  }
0x19: {  	_ =	swait.ge [sflag:s7], $0x8000  }
.Ltmp1:
0x1a: {  	[sflag:s7] =	ssyncset.done $0x0;
	(pc) =	sbr.rel @p0 .LBB2_1-.Ltmp1, $4  }
0x1b: {  	[sflag:s7] =	ssyncadd.s32 $0xFFFF8000  }
0x1c: {  	[hbm4b:s8+s3] =	stream.linear.scatter [tilespmem:s6], [sflag:$0x2], $0x8000, $0x38;
	[tilespmem:$0x8100] =	vst v63  }
0x1d: {  	_ =	swait.ge [sflag:s4], $0x8000  }
0x1e: {  	[sflag:s4] =	ssyncset.done $0x0  }
.LBB2_2:
0x1f: {  	[sflag:s4] =	ssyncadd.s32 $0xFFFF8000  }
0x20: {  	_ =	sfence.sel $0x180000  }
0x21: {  	[bflag:$0x0] =	sbarrier.arrive $0xFFFF  }
0x22: {  	p0 =	sne.s32 s0, $0x0;
	_ =	strace $0x90000047  }
0x23: {  	s0 =	sadd.s32 @!p0 $0x100000, s2;
	[bflag:$0x2] =	sbarrier.arrive $0xFFFF  }
0x24: {  	[sflag:s0] =	ssyncadd.tile.s32 @!p0 $0x1;
	_ =	shalt  }
.Lfunc_end2:
_tile_overlayer_lowered:
.L_overlay_start_2:
0x25: {  	(tag) =	ssettag $0x2  }
0x26: {  	s0 =	rddreg [dreg:$0x0];
	s2 =	stileid.u32  }
0x27: {  	s1 =	rddreg [dreg:$0x1];
	p0 =	sne.s32 s2, $0x0  }
0x28: {  	s3 =	rddreg [dreg:$0x2];
	[bflag:$0x3] =	sbarrier.arrive $0xFFFF;
	s2 =	simm.s32 @!p0 $0x1C02  }
0x29: {  	[timem:s3], [sflag:s2] =	dma.local @!p0 [hbm:s0], s1  }
0x2a: {  	s0 =	simm.s32 @!p0 $0x2  }
0x2b: {  	_ =	swait.ge @!p0 [sflag:s0], s1  }
0x2c: {  	s1 =	ssub.s32 @!p0 $0x0, s1;
	[sflag:s0] =	ssyncset.done @!p0 $0x0  }
0x2d: {  	[sflag:s0] =	ssyncadd.s32 @!p0 s1  }
0x2e: {  	[bflag:$0x3] =	sbarrier.arrive $0xFFFF  }
0x2f: {  	_ =	shalt  }

</sc_bundles>
